<compile_context>
chip_gen: v7x
topology: tpu7x:2x2x1
jax: 0.10.2.dev20260603
libtpu: 0.0.44.dev20260713+nightly
codegen_flags: <defaults>
</compile_context>

<pallas_src>
import jax
import jax.numpy as jnp
from jax import lax
from jax.experimental import pallas as pl
from jax.experimental.pallas import tpu as pltpu
from jax.experimental.pallas import tpu_sc as plsc

N = 200000
NP = 200704
IN_C = 32
OUT_C = 32
NK = 32
GRID = 32
NUM_SEG = GRID * GRID * GRID

EXT = 48
B1 = 2048
NW = 32
PPW = NP // NW
SUB = 448
CH = 112
SEG_PER_TILE = NUM_SEG // 16


def _pass1_body(mdiv_ref, ft_ref, ct_ref, wt_ref, ext_ref):
    ft = ft_ref[...]
    ct = ct_ref[...]
    kidx = (ct[1:2, :] * mdiv_ref[0]) >> 10
    key = (ct[0:1, :] * GRID + ct[2:3, :]) * GRID + ct[3:4, :]
    keyf = lax.bitcast_convert_type(key, jnp.float32)
    lo = kidx & 7
    hi = kidx >> 3
    gt = jnp.concatenate([ft] * 8, axis=0)
    row_lo = lax.broadcasted_iota(jnp.int32, (8 * IN_C, B1), 0) >> 5
    g1t = jnp.where(row_lo == lo, gt, 0.0).astype(jnp.bfloat16)
    pht = lax.dot_general(wt_ref[...], g1t, (((1,), (0,)), ((), ())),
                          preferred_element_type=jnp.float32)
    row_hi = lax.broadcasted_iota(jnp.int32, (4 * OUT_C, B1), 0) >> 5
    mt = jnp.where(row_hi == hi, pht, 0.0)
    outt = ((mt[:OUT_C, :] + mt[OUT_C:2 * OUT_C, :])
            + (mt[2 * OUT_C:3 * OUT_C, :] + mt[3 * OUT_C:, :]))
    ones = jnp.ones((1, B1), jnp.float32)
    pad = jnp.zeros((EXT - OUT_C - 2, B1), jnp.float32)
    extt = jnp.concatenate([outt, ones, keyf, pad], axis=0)
    ext_ref[...] = extt.T


def _sc_scatter_body(ext_hbm, part_hbm, rows_v, key_v, acc_sh):
    cid = lax.axis_index("c")
    sid = lax.axis_index("s")
    wid = sid * 2 + cid

    def zero_body(i, _):
        rows_v[i // (EXT // 16),
               pl.ds(pl.multiple_of((i % (EXT // 16)) * 16, 16), 16)] = (
            jnp.zeros((16,), jnp.float32))
        return 0
    lax.fori_loop(0, SUB * (EXT // 16), zero_body, 0)
    base_seg = sid * SEG_PER_TILE
    def zcp_body(m, _):
        pltpu.sync_copy(rows_v, acc_sh.at[pl.ds(base_seg + m * SUB, SUB)])
        return 0
    lax.fori_loop(0, SEG_PER_TILE // SUB, zcp_body, 0)
    rem = SEG_PER_TILE - (SEG_PER_TILE // SUB) * SUB
    if rem:
        pltpu.sync_copy(
            rows_v.at[pl.ds(0, rem)],
            acc_sh.at[pl.ds(base_seg + (SEG_PER_TILE // SUB) * SUB, rem)])
    plsc.subcore_barrier()

    @pl.when(wid < NW)
    def _scatter():
        base = wid * PPW
        lane_key = jnp.full((16,), OUT_C + 1, jnp.int32)

        def sub_body(j, _):
            off = pl.multiple_of(base + j * SUB, 8)
            pltpu.sync_copy(ext_hbm.at[pl.ds(off, SUB)], rows_v)

            def key_body(i, _):
                ridx = i * 16 + lax.broadcasted_iota(jnp.int32, (16,), 0)
                keyf = plsc.load_gather(rows_v, [ridx, lane_key])
                key_v[i // (CH // 16),
                      pl.ds(pl.multiple_of((i % (CH // 16)) * 16, 16), 16)] = (
                    plsc.bitcast(keyf, jnp.int32))
                return 0
            lax.fori_loop(0, SUB // 16, key_body, 0)

            def sc_body(g, _):
                pltpu.sync_copy(
                    rows_v.at[pl.ds(pl.multiple_of(g * CH, 8), CH)],
                    acc_sh.at[key_v.at[g]], add=True)
                return 0
            lax.fori_loop(0, SUB // CH, sc_body, 0)
            return 0
        lax.fori_loop(0, PPW // SUB, sub_body, 0)

    plsc.subcore_barrier()
    pltpu.sync_copy(acc_sh.at[pl.ds(base_seg, SEG_PER_TILE)],
                    part_hbm.at[cid, pl.ds(base_seg, SEG_PER_TILE)])


S2 = 2048


def _pass2_body(part_ref, flat_ref, coords_ref):
    g = pl.program_id(0)
    s = part_ref[0] + part_ref[1]
    flat_ref[...] = s[:, :OUT_C]
    occ = s[:, OUT_C:OUT_C + 1] > 0.0
    row = g * S2 + lax.broadcasted_iota(jnp.int32, (S2, 4), 0)
    col = lax.broadcasted_iota(jnp.int32, (S2, 4), 1)
    vals = jnp.where(col == 0, row >> 10,
                     jnp.where(col == 2, (row >> 5) & (GRID - 1),
                               jnp.where(col == 3, row & (GRID - 1), 0)))
    coords_ref[...] = jnp.where(occ, vals, 0)


def kernel(feats, coords, kernel, stride):
    kern = kernel
    stride_i = jnp.asarray(stride, jnp.int32)
    mdiv = ((1024 + stride_i - 1) // stride_i).reshape(1)
    wt = (kern.reshape(4, 8, IN_C, OUT_C).transpose(0, 3, 1, 2)
          .reshape(4 * OUT_C, 8 * IN_C).astype(jnp.bfloat16))
    ftp = jnp.pad(feats.T, ((0, 0), (0, NP - N)))
    ctp = jnp.pad(coords.T, ((0, 0), (0, NP - N)))

    ext = pl.pallas_call(
        _pass1_body,
        grid=(NP // B1,),
        in_specs=[
            pl.BlockSpec(memory_space=pltpu.SMEM),
            pl.BlockSpec((IN_C, B1), lambda i: (0, i)),
            pl.BlockSpec((4, B1), lambda i: (0, i)),
            pl.BlockSpec((4 * OUT_C, 8 * IN_C), lambda i: (0, 0)),
        ],
        out_specs=pl.BlockSpec((B1, EXT), lambda i: (i, 0)),
        out_shape=jax.ShapeDtypeStruct((NP, EXT), jnp.float32),
    )(mdiv, ftp, ctp, wt)

    mesh = plsc.VectorSubcoreMesh(core_axis_name="c", subcore_axis_name="s")
    part = pl.kernel(
        _sc_scatter_body,
        out_type=jax.ShapeDtypeStruct((2, NUM_SEG, EXT), jnp.float32),
        mesh=mesh,
        compiler_params=pltpu.CompilerParams(
            use_tc_tiling_on_sc=False, needs_layout_passes=False),
        scratch_types=[
            pltpu.VMEM((SUB, EXT), jnp.float32),
            pltpu.VMEM((SUB // CH, CH), jnp.int32),
            pltpu.VMEM_SHARED((NUM_SEG, EXT), jnp.float32),
        ],
    )(ext)

    flat, out_coords = pl.pallas_call(
        _pass2_body,
        grid=(NUM_SEG // S2,),
        in_specs=[pl.BlockSpec((2, S2, EXT), lambda i: (0, i, 0))],
        out_specs=[
            pl.BlockSpec((S2, OUT_C), lambda i: (i, 0)),
            pl.BlockSpec((S2, 4), lambda i: (i, 0)),
        ],
        out_shape=[
            jax.ShapeDtypeStruct((NUM_SEG, OUT_C), jnp.float32),
            jax.ShapeDtypeStruct((NUM_SEG, 4), jnp.int32),
        ],
    )(part)

    return flat, out_coords

# --- scband reference (transcript-rebuilt; emitter-appended) ---
"""Pipeline reference for scband-to-bevconvolution-8529805050237 (READ-ONLY COPY).

The authoritative reference and input builder live on the scoring server;
editing this copy changes nothing except your own understanding.
"""

import jax, jax.numpy as jnp
import numpy as np

N = 200000
IN_C = 32
OUT_C = 32
N_KERNELS = 32
GRID = 32
NUM_SEG = GRID * GRID * GRID


def setup_inputs(seed: int = 0) -> dict:
    key = jax.random.key(seed)
    k1, k2, k3 = jax.random.split(key, 3)
    feats = jax.random.normal(k1, (N, IN_C), dtype=jnp.float32)
    coords = jax.random.randint(k2, (N, 4), 0, GRID, dtype=jnp.int32)
    std = 1.0 / np.sqrt(IN_C)
    kernel = jax.random.uniform(k3, (N_KERNELS, IN_C, OUT_C), dtype=jnp.float32, minval=-std, maxval=std)
    stride = 1  # input SparseTensor stride s
    return {"feats": feats, "coords": coords, "kernel": kernel, "stride": stride}


def reference(feats, coords, kernel, stride):
    # ToBEVConvolution.forward (dim=1, module stride=1, bias=False)
    dim = 1
    module_stride = 1
    ratio = stride * module_stride
    # per-point kernel selection: kernels = index_select(kernel, 0, coords[:, dim] // stride)
    kidx = coords[:, dim] // stride
    kernels = jnp.take(kernel, kidx, axis=0)  # [N, IN_C, OUT_C]
    # feats = (feats.unsqueeze(-1) * kernels).sum(1) + bias(=0)
    out_feats = jnp.sum(feats[:, :, None] * kernels, axis=1)  # [N, OUT_C]
    # zero out the reduced dimension of the coordinates
    new_coords = coords.at[:, dim].set(0)
    # module_stride == 1, so no coordinate rescaling branch
    # coalesce: sum features of points that collapse onto the same BEV cell
    key_ = (new_coords[:, 0] * GRID + new_coords[:, 2]) * GRID + new_coords[:, 3]
    flat_feats = jax.ops.segment_sum(out_feats, key_, num_segments=NUM_SEG)  # [NUM_SEG, OUT_C]
    # representative coordinates per BEV cell (overwrite semantics; all points in a
    # segment share the same zeroed coords, matching coalesce indices)
    out_coords = jnp.zeros((NUM_SEG, 4), dtype=jnp.int32).at[key_].set(new_coords)
    return flat_feats, out_coords

if __name__ == "__main__":
    import jax
    _d = setup_inputs()
    print(jax.jit(kernel)(*tuple(_d.values())))

</pallas_src>

<mosaic_0001>
#map = affine_map<(d0, d1) -> (0, 0)>
#map1 = affine_map<(d0, d1) -> (0, 0, 0)>
module attributes {stable_mosaic.version = 14 : i64} {
  func.func @_sc_scatter_body(%arg0: i32, %arg1: i32, %arg2: memref<200704x48xf32, #tpu.memory_space<hbm>>, %arg3: memref<2x32768x48xf32, #tpu.memory_space<hbm>>, %arg4: memref<448x48xf32, #tpu.memory_space<vmem>>, %arg5: memref<4x112xi32, #tpu.memory_space<vmem>>, %arg6: memref<32768x48xf32, #tpu.memory_space<vmem_shared>>) attributes {dimension_semantics = [#tpu.dimension_semantics<core_parallel>, #tpu.dimension_semantics<subcore_parallel>], iteration_bounds = array<i64: 2, 16>, scalar_prefetch = 0 : i64, scratch_operands = 3 : i64, tpu.core_type = #tpu.core_type<sc_vector_subcore>, window_params = [{transform_indices = #map}, {transform_indices = #map1}]} {
    %mul3A = arith.constant 2 : i32
    %mul3A_0 = arith.muli %arg1, %mul3A : i32
    %add3A = arith.addi %mul3A_0, %arg0 : i32
    %scan3A = arith.constant 0 : i32
    %scan3A_1 = arith.constant 0 : i32
    %scan3A_2 = arith.constant 1344 : i32
    %scan3A_3 = arith.addi %scan3A_1, %scan3A_2 : i32
    %scan3A_4 = arith.constant 1 : i32
    %scan3A_5 = scf.for %scan3A_21 = %scan3A_1 to %scan3A_3 step %scan3A_4 iter_args(%scan3A_22 = %scan3A) -> (i32)  : i32 {
      %broadcast_in_dim3A = arith.constant 0.000000e+00 : f32
      %broadcast_in_dim3A_23 = vector.broadcast %broadcast_in_dim3A : f32 to vector<16xf32>
      %jit3A = arith.constant 3 : i32
      %div3A = arith.divsi %scan3A_21, %jit3A : i32
      %sign3A = arith.constant 0 : i32
      %sign3A_24 = arith.cmpi sgt, %scan3A_21, %sign3A : i32
      %sign3A_25 = arith.extui %sign3A_24 : i1 to i32
      %sign3A_26 = arith.constant 0 : i32
      %sign3A_27 = arith.cmpi slt, %scan3A_21, %sign3A_26 : i32
      %sign3A_28 = arith.extui %sign3A_27 : i1 to i32
      %sign3A_29 = arith.subi %sign3A_25, %sign3A_28 : i32
      %sign3A_30 = arith.constant 0 : i32
      %sign3A_31 = arith.cmpi sgt, %jit3A, %sign3A_30 : i32
      %sign3A_32 = arith.extui %sign3A_31 : i1 to i32
      %sign3A_33 = arith.constant 0 : i32
      %sign3A_34 = arith.cmpi slt, %jit3A, %sign3A_33 : i32
      %sign3A_35 = arith.extui %sign3A_34 : i1 to i32
      %sign3A_36 = arith.subi %sign3A_32, %sign3A_35 : i32
      %ne3A = arith.cmpi ne, %sign3A_29, %sign3A_36 : i32
      %rem3A = arith.remsi %scan3A_21, %jit3A : i32
      %ne3A_37 = arith.constant 0 : i32
      %ne3A_38 = arith.cmpi ne, %rem3A, %ne3A_37 : i32
      %and3A = arith.andi %ne3A, %ne3A_38 : i1
      %sub3A = arith.constant 1 : i32
      %sub3A_39 = arith.subi %div3A, %sub3A : i32
      %select_n3A = arith.select %and3A, %sub3A_39, %div3A : i32
      %jit3A_40 = arith.constant 3 : i32
      %eq3A = arith.constant 0 : i32
      %eq3A_41 = arith.cmpi eq, %jit3A_40, %eq3A : i32
      %jit3A_42 = arith.constant 1 : i32
      %select_n3A_43 = arith.select %eq3A_41, %jit3A_42, %jit3A_40 : i32
      %rem3A_44 = arith.remsi %scan3A_21, %select_n3A_43 : i32
      %ne3A_45 = arith.constant 0 : i32
      %ne3A_46 = arith.cmpi ne, %rem3A_44, %ne3A_45 : i32
      %lt3A_47 = arith.constant 0 : i32
      %lt3A_48 = arith.cmpi slt, %rem3A_44, %lt3A_47 : i32
      %lt3A_49 = arith.constant 0 : i32
      %lt3A_50 = arith.cmpi slt, %select_n3A_43, %lt3A_49 : i32
      %ne3A_51 = arith.xori %lt3A_48, %lt3A_50 : i1
      %and3A_52 = arith.andi %ne3A_51, %ne3A_46 : i1
      %add3A_53 = arith.addi %rem3A_44, %select_n3A_43 : i32
      %select_n3A_54 = arith.select %and3A_52, %add3A_53, %rem3A_44 : i32
      %mul3A_55 = arith.constant 16 : i32
      %mul3A_56 = arith.muli %select_n3A_54, %mul3A_55 : i32
      %multiple_of3A = tpu.assume_multiple %mul3A_56, 16 : i32
      %swap3A = arith.index_cast %select_n3A : i32 to index
      %swap3A_57 = arith.index_cast %multiple_of3A : i32 to index
      %swap3A_58 = tpu.vector_load %arg4[%swap3A, %swap3A_57] {strides = array<i32>} : memref<448x48xf32, #tpu.memory_space<vmem>>, vector<16xf32>,
      tpu.vector_store %arg4[%swap3A, %swap3A_57], %broadcast_in_dim3A_23 {strides = array<i32>} : memref<448x48xf32, #tpu.memory_space<vmem>>, vector<16xf32>,
      %scan3A_59 = arith.constant 0 : i32
      scf.yield %scan3A_59 : i32
    }
    %scan3A_6 = arith.constant 1344 : i32
    %mul3A_7 = arith.constant 2048 : i32
    %mul3A_8 = arith.muli %arg1, %mul3A_7 : i32
    %scan3A_9 = arith.constant 0 : i32
    %scan3A_10 = arith.constant 0 : i32
    %scan3A_11 = arith.constant 4 : i32
    %scan3A_12 = arith.addi %scan3A_10, %scan3A_11 : i32
    %scan3A_13 = arith.constant 1 : i32
    %scan3A_14 = scf.for %scan3A_21 = %scan3A_10 to %scan3A_12 step %scan3A_13 iter_args(%scan3A_22 = %scan3A_9) -> (i32)  : i32 {
      %mul3A_23 = arith.constant 448 : i32
      %mul3A_24 = arith.muli %scan3A_21, %mul3A_23 : i32
      %add3A_25 = arith.addi %mul3A_8, %mul3A_24 : i32
      "tpu.region"() ({
        %run_scoped3A = tpu.sem_alloc : memref<!tpu.dma_semaphore, #tpu.memory_space<semaphore_mem>>
        %dma_start3A = arith.constant 0 : i32
        %dma_start3A_27 = tpu.memref_slice %arg6[%add3A_25, %dma_start3A] : memref<32768x48xf32, #tpu.memory_space<vmem_shared>> -> memref<448x48xf32, #tpu.memory_space<vmem_shared>>
        %dma_start3A_28 = arith.constant 0 : i32
        %dma_start3A_29 = tpu.memref_slice %arg6[%add3A_25, %dma_start3A_28] : memref<32768x48xf32, #tpu.memory_space<vmem_shared>> -> memref<448x48xf32, #tpu.memory_space<vmem_shared>>
        tpu.enqueue_dma source(%arg4 : memref<448x48xf32, #tpu.memory_space<vmem>>) target(%dma_start3A_29 : memref<448x48xf32, #tpu.memory_space<vmem_shared>>) target_semaphore(%run_scoped3A : memref<!tpu.dma_semaphore, #tpu.memory_space<semaphore_mem>>)
        %dma_wait3A = arith.constant 0 : i32
        %dma_wait3A_30 = tpu.memref_slice %arg6[%add3A_25, %dma_wait3A] : memref<32768x48xf32, #tpu.memory_space<vmem_shared>> -> memref<448x48xf32, #tpu.memory_space<vmem_shared>>
        %dma_wait3A_31 = arith.constant 0 : i32
        %dma_wait3A_32 = tpu.memref_slice %arg6[%add3A_25, %dma_wait3A_31] : memref<32768x48xf32, #tpu.memory_space<vmem_shared>> -> memref<448x48xf32, #tpu.memory_space<vmem_shared>>
        tpu.wait_dma2 semaphore(%run_scoped3A : memref<!tpu.dma_semaphore, #tpu.memory_space<semaphore_mem>>) src(%arg4 : memref<448x48xf32, #tpu.memory_space<vmem>>) dst(%dma_wait3A_32 : memref<448x48xf32, #tpu.memory_space<vmem_shared>>)
        tpu.yield
      }) : () -> ()
      %scan3A_26 = arith.constant 0 : i32
      scf.yield %scan3A_26 : i32
    }
    %scan3A_15 = arith.constant 4 : i32
    %add3A_16 = arith.constant 1792 : i32
    %add3A_17 = arith.addi %mul3A_8, %add3A_16 : i32
    "tpu.region"() ({
      %run_scoped3A = tpu.sem_alloc : memref<!tpu.dma_semaphore, #tpu.memory_space<semaphore_mem>>
      %dma_start3A = arith.constant 0 : i32
      %dma_start3A_21 = arith.constant 0 : i32
      %dma_start3A_22 = tpu.memref_slice %arg4[%dma_start3A, %dma_start3A_21] : memref<448x48xf32, #tpu.memory_space<vmem>> -> memref<256x48xf32, #tpu.memory_space<vmem>>
      %dma_start3A_23 = arith.constant 0 : i32
      %dma_start3A_24 = tpu.memref_slice %arg6[%add3A_17, %dma_start3A_23] : memref<32768x48xf32, #tpu.memory_space<vmem_shared>> -> memref<256x48xf32, #tpu.memory_space<vmem_shared>>
      %dma_start3A_25 = arith.constant 0 : i32
      %dma_start3A_26 = tpu.memref_slice %arg6[%add3A_17, %dma_start3A_25] : memref<32768x48xf32, #tpu.memory_space<vmem_shared>> -> memref<256x48xf32, #tpu.memory_space<vmem_shared>>
      %dma_start3A_27 = arith.constant 0 : i32
      %dma_start3A_28 = arith.constant 0 : i32
      %dma_start3A_29 = tpu.memref_slice %arg4[%dma_start3A_27, %dma_start3A_28] : memref<448x48xf32, #tpu.memory_space<vmem>> -> memref<256x48xf32, #tpu.memory_space<vmem>>
      tpu.enqueue_dma source(%dma_start3A_29 : memref<256x48xf32, #tpu.memory_space<vmem>>) target(%dma_start3A_26 : memref<256x48xf32, #tpu.memory_space<vmem_shared>>) target_semaphore(%run_scoped3A : memref<!tpu.dma_semaphore, #tpu.memory_space<semaphore_mem>>)
      %dma_wait3A = arith.constant 0 : i32
      %dma_wait3A_30 = arith.constant 0 : i32
      %dma_wait3A_31 = tpu.memref_slice %arg4[%dma_wait3A, %dma_wait3A_30] : memref<448x48xf32, #tpu.memory_space<vmem>> -> memref<256x48xf32, #tpu.memory_space<vmem>>
      %dma_wait3A_32 = arith.constant 0 : i32
      %dma_wait3A_33 = tpu.memref_slice %arg6[%add3A_17, %dma_wait3A_32] : memref<32768x48xf32, #tpu.memory_space<vmem_shared>> -> memref<256x48xf32, #tpu.memory_space<vmem_shared>>
      %dma_wait3A_34 = arith.constant 0 : i32
      %dma_wait3A_35 = tpu.memref_slice %arg6[%add3A_17, %dma_wait3A_34] : memref<32768x48xf32, #tpu.memory_space<vmem_shared>> -> memref<256x48xf32, #tpu.memory_space<vmem_shared>>
      %dma_wait3A_36 = arith.constant 0 : i32
      %dma_wait3A_37 = arith.constant 0 : i32
      %dma_wait3A_38 = tpu.memref_slice %arg4[%dma_wait3A_36, %dma_wait3A_37] : memref<448x48xf32, #tpu.memory_space<vmem>> -> memref<256x48xf32, #tpu.memory_space<vmem>>
      tpu.wait_dma2 semaphore(%run_scoped3A : memref<!tpu.dma_semaphore, #tpu.memory_space<semaphore_mem>>) src(%dma_wait3A_38 : memref<256x48xf32, #tpu.memory_space<vmem>>) dst(%dma_wait3A_35 : memref<256x48xf32, #tpu.memory_space<vmem_shared>>)
      tpu.yield
    }) : () -> ()
    %barrier3A = arith.constant 0 : index
    tpu.barrier barrier_id(%barrier3A)
    %lt3A = arith.constant 32 : i32
    %lt3A_18 = arith.cmpi slt, %add3A, %lt3A : i32
    %convert_element_type3A = arith.extui %lt3A_18 : i1 to i32
    %cond3A = arith.constant 0 : i32
    %cond3A_19 = arith.cmpi ne, %convert_element_type3A, %cond3A : i32
    scf.if %cond3A_19 {
      %mul3A_21 = arith.constant 6272 : i32
      %mul3A_22 = arith.muli %add3A, %mul3A_21 : i32
      %broadcast_in_dim3A = arith.constant 33 : i32
      %broadcast_in_dim3A_23 = vector.broadcast %broadcast_in_dim3A : i32 to vector<16xi32>
      %scan3A_24 = arith.constant 0 : i32
      %scan3A_25 = arith.constant 0 : i32
      %scan3A_26 = arith.constant 14 : i32
      %scan3A_27 = arith.addi %scan3A_25, %scan3A_26 : i32
      %scan3A_28 = arith.constant 1 : i32
      %scan3A_29 = scf.for %scan3A_31 = %scan3A_25 to %scan3A_27 step %scan3A_28 iter_args(%scan3A_32 = %scan3A_24) -> (i32)  : i32 {
        %mul3A_33 = arith.constant 448 : i32
        %mul3A_34 = arith.muli %scan3A_31, %mul3A_33 : i32
        %add3A_35 = arith.addi %mul3A_22, %mul3A_34 : i32
        %multiple_of3A = tpu.assume_multiple %add3A_35, 8 : i32
        "tpu.region"() ({
          %run_scoped3A = tpu.sem_alloc : memref<!tpu.dma_semaphore, #tpu.memory_space<semaphore_mem>>
          %dma_start3A = arith.constant 0 : i32
          %dma_start3A_51 = tpu.memref_slice %arg2[%multiple_of3A, %dma_start3A] : memref<200704x48xf32, #tpu.memory_space<hbm>> -> memref<448x48xf32, #tpu.memory_space<hbm>>
          %dma_start3A_52 = arith.constant 0 : i32
          %dma_start3A_53 = tpu.memref_slice %arg2[%multiple_of3A, %dma_start3A_52] : memref<200704x48xf32, #tpu.memory_space<hbm>> -> memref<448x48xf32, #tpu.memory_space<hbm>>
          tpu.enqueue_dma source(%dma_start3A_53 : memref<448x48xf32, #tpu.memory_space<hbm>>) target(%arg4 : memref<448x48xf32, #tpu.memory_space<vmem>>) target_semaphore(%run_scoped3A : memref<!tpu.dma_semaphore, #tpu.memory_space<semaphore_mem>>)
          %dma_wait3A = arith.constant 0 : i32
          %dma_wait3A_54 = tpu.memref_slice %arg2[%multiple_of3A, %dma_wait3A] : memref<200704x48xf32, #tpu.memory_space<hbm>> -> memref<448x48xf32, #tpu.memory_space<hbm>>
          %dma_wait3A_55 = arith.constant 0 : i32
          %dma_wait3A_56 = tpu.memref_slice %arg2[%multiple_of3A, %dma_wait3A_55] : memref<200704x48xf32, #tpu.memory_space<hbm>> -> memref<448x48xf32, #tpu.memory_space<hbm>>
          tpu.wait_dma2 semaphore(%run_scoped3A : memref<!tpu.dma_semaphore, #tpu.memory_space<semaphore_mem>>) src(%dma_wait3A_56 : memref<448x48xf32, #tpu.memory_space<hbm>>) dst(%arg4 : memref<448x48xf32, #tpu.memory_space<vmem>>)
          tpu.yield
        }) : () -> ()
        %scan3A_36 = arith.constant 0 : i32
        %scan3A_37 = arith.constant 0 : i32
        %scan3A_38 = arith.constant 28 : i32
        %scan3A_39 = arith.addi %scan3A_37, %scan3A_38 : i32
        %scan3A_40 = arith.constant 1 : i32
        %scan3A_41 = scf.for %scan3A_51 = %scan3A_37 to %scan3A_39 step %scan3A_40 iter_args(%scan3A_52 = %scan3A_36) -> (i32)  : i32 {
          %mul3A_53 = arith.constant 16 : i32
          %mul3A_54 = arith.muli %scan3A_51, %mul3A_53 : i32
          %iota3A = tpu.iota {dimensions = array<i32: 0>} : vector<16xi32>
          %add3A_55 = vector.broadcast %mul3A_54 : i32 to vector<16xi32>
          %add3A_56 = arith.addi %add3A_55, %iota3A : vector<16xi32>
          %gather3A = tpu.vector_load_idx %arg4[%add3A_56, %broadcast_in_dim3A_23] : memref<448x48xf32, #tpu.memory_space<vmem>>[vector<16xi32>, vector<16xi32>], vector<16xf32>,
          %bitcast3A = vector.bitcast %gather3A : vector<16xf32> to vector<16xi32>
          %jit3A = arith.constant 7 : i32
          %div3A = arith.divsi %scan3A_51, %jit3A : i32
          %sign3A = arith.constant 0 : i32
          %sign3A_57 = arith.cmpi sgt, %scan3A_51, %sign3A : i32
          %sign3A_58 = arith.extui %sign3A_57 : i1 to i32
          %sign3A_59 = arith.constant 0 : i32
          %sign3A_60 = arith.cmpi slt, %scan3A_51, %sign3A_59 : i32
          %sign3A_61 = arith.extui %sign3A_60 : i1 to i32
          %sign3A_62 = arith.subi %sign3A_58, %sign3A_61 : i32
          %sign3A_63 = arith.constant 0 : i32
          %sign3A_64 = arith.cmpi sgt, %jit3A, %sign3A_63 : i32
          %sign3A_65 = arith.extui %sign3A_64 : i1 to i32
          %sign3A_66 = arith.constant 0 : i32
          %sign3A_67 = arith.cmpi slt, %jit3A, %sign3A_66 : i32
          %sign3A_68 = arith.extui %sign3A_67 : i1 to i32
          %sign3A_69 = arith.subi %sign3A_65, %sign3A_68 : i32
          %ne3A = arith.cmpi ne, %sign3A_62, %sign3A_69 : i32
          %rem3A = arith.remsi %scan3A_51, %jit3A : i32
          %ne3A_70 = arith.constant 0 : i32
          %ne3A_71 = arith.cmpi ne, %rem3A, %ne3A_70 : i32
          %and3A = arith.andi %ne3A, %ne3A_71 : i1
          %sub3A = arith.constant 1 : i32
          %sub3A_72 = arith.subi %div3A, %sub3A : i32
          %select_n3A = arith.select %and3A, %sub3A_72, %div3A : i32
          %jit3A_73 = arith.constant 7 : i32
          %eq3A = arith.constant 0 : i32
          %eq3A_74 = arith.cmpi eq, %jit3A_73, %eq3A : i32
          %jit3A_75 = arith.constant 1 : i32
          %select_n3A_76 = arith.select %eq3A_74, %jit3A_75, %jit3A_73 : i32
          %rem3A_77 = arith.remsi %scan3A_51, %select_n3A_76 : i32
          %ne3A_78 = arith.constant 0 : i32
          %ne3A_79 = arith.cmpi ne, %rem3A_77, %ne3A_78 : i32
          %lt3A_80 = arith.constant 0 : i32
          %lt3A_81 = arith.cmpi slt, %rem3A_77, %lt3A_80 : i32
          %lt3A_82 = arith.constant 0 : i32
          %lt3A_83 = arith.cmpi slt, %select_n3A_76, %lt3A_82 : i32
          %ne3A_84 = arith.xori %lt3A_81, %lt3A_83 : i1
          %and3A_85 = arith.andi %ne3A_84, %ne3A_79 : i1
          %add3A_86 = arith.addi %rem3A_77, %select_n3A_76 : i32
          %select_n3A_87 = arith.select %and3A_85, %add3A_86, %rem3A_77 : i32
          %mul3A_88 = arith.constant 16 : i32
          %mul3A_89 = arith.muli %select_n3A_87, %mul3A_88 : i32
          %multiple_of3A_90 = tpu.assume_multiple %mul3A_89, 16 : i32
          %swap3A = arith.index_cast %select_n3A : i32 to index
          %swap3A_91 = arith.index_cast %multiple_of3A_90 : i32 to index
          %swap3A_92 = tpu.vector_load %arg5[%swap3A, %swap3A_91] {strides = array<i32>} : memref<4x112xi32, #tpu.memory_space<vmem>>, vector<16xi32>,
          tpu.vector_store %arg5[%swap3A, %swap3A_91], %bitcast3A {strides = array<i32>} : memref<4x112xi32, #tpu.memory_space<vmem>>, vector<16xi32>,
          %scan3A_93 = arith.constant 0 : i32
          scf.yield %scan3A_93 : i32
        }
        %scan3A_42 = arith.constant 28 : i32
        %scan3A_43 = arith.constant 0 : i32
        %scan3A_44 = arith.constant 0 : i32
        %scan3A_45 = arith.constant 4 : i32
        %scan3A_46 = arith.addi %scan3A_44, %scan3A_45 : i32
        %scan3A_47 = arith.constant 1 : i32
        %scan3A_48 = scf.for %scan3A_51 = %scan3A_44 to %scan3A_46 step %scan3A_47 iter_args(%scan3A_52 = %scan3A_43) -> (i32)  : i32 {
          %mul3A_53 = arith.constant 112 : i32
          %mul3A_54 = arith.muli %scan3A_51, %mul3A_53 : i32
          %multiple_of3A_55 = tpu.assume_multiple %mul3A_54, 8 : i32
          "tpu.region"() ({
            %run_scoped3A = tpu.sem_alloc : memref<!tpu.dma_semaphore, #tpu.memory_space<semaphore_mem>>
            %dma_start3A = arith.constant 0 : i32
            %dma_start3A_57 = tpu.memref_slice %arg4[%multiple_of3A_55, %dma_start3A] : memref<448x48xf32, #tpu.memory_space<vmem>> -> memref<112x48xf32, #tpu.memory_space<vmem>>
            %dma_start3A_58 = arith.constant 0 : i32
            %dma_start3A_59 = tpu.memref_slice %arg5[%scan3A_51, %dma_start3A_58] : memref<4x112xi32, #tpu.memory_space<vmem>> -> memref<1x112xi32, #tpu.memory_space<vmem>>
            %dma_start3A_60 = tpu.memref_squeeze %dma_start3A_59 : memref<1x112xi32, #tpu.memory_space<vmem>> -> memref<112xi32, #tpu.memory_space<vmem>>
            %dma_start3A_61 = arith.constant 0 : i32
            %dma_start3A_62 = arith.constant 0 : i32
            %dma_start3A_63 = tpu.memref_slice %arg6[%dma_start3A_61, %dma_start3A_62] : memref<32768x48xf32, #tpu.memory_space<vmem_shared>> -> memref<32768x48xf32, #tpu.memory_space<vmem_shared>>
            tpu.enqueue_indirect_dma source(%dma_start3A_57 : memref<112x48xf32, #tpu.memory_space<vmem>>) target(%dma_start3A_63 : memref<32768x48xf32, #tpu.memory_space<vmem_shared>>) offsets(%dma_start3A_60 : memref<112xi32, #tpu.memory_space<vmem>>) semaphore(%run_scoped3A : memref<!tpu.dma_semaphore, #tpu.memory_space<semaphore_mem>>) {add = true}
            %dma_wait3A = arith.constant 0 : i32
            %dma_wait3A_64 = tpu.memref_slice %arg4[%multiple_of3A_55, %dma_wait3A] : memref<448x48xf32, #tpu.memory_space<vmem>> -> memref<112x48xf32, #tpu.memory_space<vmem>>
            %dma_wait3A_65 = arith.constant 0 : i32
            %dma_wait3A_66 = tpu.memref_slice %arg5[%scan3A_51, %dma_wait3A_65] : memref<4x112xi32, #tpu.memory_space<vmem>> -> memref<1x112xi32, #tpu.memory_space<vmem>>
            %dma_wait3A_67 = tpu.memref_squeeze %dma_wait3A_66 : memref<1x112xi32, #tpu.memory_space<vmem>> -> memref<112xi32, #tpu.memory_space<vmem>>
            %dma_wait3A_68 = arith.constant 0 : i32
            %dma_wait3A_69 = arith.constant 0 : i32
            %dma_wait3A_70 = tpu.memref_slice %arg6[%dma_wait3A_68, %dma_wait3A_69] : memref<32768x48xf32, #tpu.memory_space<vmem_shared>> -> memref<32768x48xf32, #tpu.memory_space<vmem_shared>>
            tpu.wait_indirect_dma semaphore(%run_scoped3A : memref<!tpu.dma_semaphore, #tpu.memory_space<semaphore_mem>>) src(%dma_wait3A_64 : memref<112x48xf32, #tpu.memory_space<vmem>>) dst(%dma_wait3A_70 : memref<32768x48xf32, #tpu.memory_space<vmem_shared>>)
            tpu.yield
          }) : () -> ()
          %scan3A_56 = arith.constant 0 : i32
          scf.yield %scan3A_56 : i32
        }
        %scan3A_49 = arith.constant 4 : i32
        %scan3A_50 = arith.constant 0 : i32
        scf.yield %scan3A_50 : i32
      }
      %scan3A_30 = arith.constant 14 : i32
    } else {
    }
    %barrier3A_20 = arith.constant 0 : index
    tpu.barrier barrier_id(%barrier3A_20)
    "tpu.region"() ({
      %run_scoped3A = tpu.sem_alloc : memref<!tpu.dma_semaphore, #tpu.memory_space<semaphore_mem>>
      %dma_start3A = arith.constant 0 : i32
      %dma_start3A_21 = tpu.memref_slice %arg3[%arg0, %mul3A_8, %dma_start3A] : memref<2x32768x48xf32, #tpu.memory_space<hbm>> -> memref<1x2048x48xf32, #tpu.memory_space<hbm>>
      %dma_start3A_22 = tpu.memref_squeeze %dma_start3A_21 : memref<1x2048x48xf32, #tpu.memory_space<hbm>> -> memref<2048x48xf32, #tpu.memory_space<hbm>>
      %dma_start3A_23 = arith.constant 0 : i32
      %dma_start3A_24 = tpu.memref_slice %arg6[%mul3A_8, %dma_start3A_23] : memref<32768x48xf32, #tpu.memory_space<vmem_shared>> -> memref<2048x48xf32, #tpu.memory_space<vmem_shared>>
      tpu.enqueue_dma source(%dma_start3A_24 : memref<2048x48xf32, #tpu.memory_space<vmem_shared>>) target(%dma_start3A_22 : memref<2048x48xf32, #tpu.memory_space<hbm>>) target_semaphore(%run_scoped3A : memref<!tpu.dma_semaphore, #tpu.memory_space<semaphore_mem>>)
      %dma_wait3A = arith.constant 0 : i32
      %dma_wait3A_25 = tpu.memref_slice %arg3[%arg0, %mul3A_8, %dma_wait3A] : memref<2x32768x48xf32, #tpu.memory_space<hbm>> -> memref<1x2048x48xf32, #tpu.memory_space<hbm>>
      %dma_wait3A_26 = tpu.memref_squeeze %dma_wait3A_25 : memref<1x2048x48xf32, #tpu.memory_space<hbm>> -> memref<2048x48xf32, #tpu.memory_space<hbm>>
      %dma_wait3A_27 = arith.constant 0 : i32
      %dma_wait3A_28 = tpu.memref_slice %arg6[%mul3A_8, %dma_wait3A_27] : memref<32768x48xf32, #tpu.memory_space<vmem_shared>> -> memref<2048x48xf32, #tpu.memory_space<vmem_shared>>
      tpu.wait_dma2 semaphore(%run_scoped3A : memref<!tpu.dma_semaphore, #tpu.memory_space<semaphore_mem>>) src(%dma_wait3A_28 : memref<2048x48xf32, #tpu.memory_space<vmem_shared>>) dst(%dma_wait3A_26 : memref<2048x48xf32, #tpu.memory_space<hbm>>)
      tpu.yield
    }) : () -> ()
    return
  }
}

module attributes {stable_mosaic.version = 14 : i64} {
  func.func @_pass1_body(%arg0: i32, %arg1: memref<1xi32, #tpu.memory_space<smem>>, %arg2: memref<32x2048xf32, #tpu.memory_space<vmem>>, %arg3: memref<4x2048xi32, #tpu.memory_space<vmem>>, %arg4: memref<128x256xbf16, #tpu.memory_space<vmem>>, %arg5: memref<2048x48xf32, #tpu.memory_space<vmem>>) attributes {dimension_semantics = [#tpu.dimension_semantics<arbitrary>], iteration_bounds = array<i64: 98>, scalar_prefetch = 0 : i64, scratch_operands = 0 : i64, tpu.core_type = #tpu.core_type<tc>, window_params = [{transform_indices = @transform_0, window_bounds = array<i64: 1>}, {transform_indices = @transform_1, window_bounds = array<i64: 32, 2048>}, {transform_indices = @transform_2, window_bounds = array<i64: 4, 2048>}, {pipeline_mode = #tpu.pipeline_mode<synchronous>, transform_indices = @transform_3, window_bounds = array<i64: 128, 256>}, {transform_indices = @transform_4, window_bounds = array<i64: 2048, 48>}]} {
    %get3A = arith.constant 0 : index
    %get3A_0 = arith.constant 0 : index
    %get3A_1 = vector.load %arg2[%get3A, %get3A_0] : memref<32x2048xf32, #tpu.memory_space<vmem>>, vector<32x2048xf32>
    %get3A_2 = arith.constant 0 : index
    %get3A_3 = arith.constant 0 : index
    %get3A_4 = vector.load %arg3[%get3A_2, %get3A_3] : memref<4x2048xi32, #tpu.memory_space<vmem>>, vector<4x2048xi32>
    %slice3A = vector.extract_strided_slice %get3A_4 {offsets = [1, 0], sizes = [1, 2048], strides = [1, 1]} : vector<4x2048xi32> to vector<1x2048xi32>
    %get3A_5 = arith.constant 0 : index
    %get3A_6 = memref.load %arg1[%get3A_5] : memref<1xi32, #tpu.memory_space<smem>>
    %mul3A = vector.broadcast %get3A_6 : i32 to vector<1x2048xi32>
    %mul3A_7 = arith.muli %slice3A, %mul3A : vector<1x2048xi32>
    %shift_right_arithmetic3A = arith.constant 10 : i32
    %shift_right_arithmetic3A_8 = vector.broadcast %shift_right_arithmetic3A : i32 to vector<1x2048xi32>
    %shift_right_arithmetic3A_9 = arith.shrsi %mul3A_7, %shift_right_arithmetic3A_8 : vector<1x2048xi32>
    %slice3A_10 = vector.extract_strided_slice %get3A_4 {offsets = [0, 0], sizes = [1, 2048], strides = [1, 1]} : vector<4x2048xi32> to vector<1x2048xi32>
    %mul3A_11 = arith.constant 32 : i32
    %mul3A_12 = vector.broadcast %mul3A_11 : i32 to vector<1x2048xi32>
    %mul3A_13 = arith.muli %slice3A_10, %mul3A_12 : vector<1x2048xi32>
    %slice3A_14 = vector.extract_strided_slice %get3A_4 {offsets = [2, 0], sizes = [1, 2048], strides = [1, 1]} : vector<4x2048xi32> to vector<1x2048xi32>
    %add3A = arith.addi %mul3A_13, %slice3A_14 : vector<1x2048xi32>
    %mul3A_15 = arith.constant 32 : i32
    %mul3A_16 = vector.broadcast %mul3A_15 : i32 to vector<1x2048xi32>
    %mul3A_17 = arith.muli %add3A, %mul3A_16 : vector<1x2048xi32>
    %slice3A_18 = vector.extract_strided_slice %get3A_4 {offsets = [3, 0], sizes = [1, 2048], strides = [1, 1]} : vector<4x2048xi32> to vector<1x2048xi32>
    %add3A_19 = arith.addi %mul3A_17, %slice3A_18 : vector<1x2048xi32>
    %bitcast_convert_type3A = tpu.bitcast %add3A_19 : vector<1x2048xi32> -> vector<1x2048xf32>
    %and3A = arith.constant 7 : i32
    %and3A_20 = vector.broadcast %and3A : i32 to vector<1x2048xi32>
    %and3A_21 = arith.andi %shift_right_arithmetic3A_9, %and3A_20 : vector<1x2048xi32>
    %shift_right_arithmetic3A_22 = arith.constant 3 : i32
    %shift_right_arithmetic3A_23 = vector.broadcast %shift_right_arithmetic3A_22 : i32 to vector<1x2048xi32>
    %shift_right_arithmetic3A_24 = arith.shrsi %shift_right_arithmetic3A_9, %shift_right_arithmetic3A_23 : vector<1x2048xi32>
    %concatenate3A = tpu.concatenate %get3A_1, %get3A_1, %get3A_1, %get3A_1, %get3A_1, %get3A_1, %get3A_1, %get3A_1 in 0 : vector<32x2048xf32>, vector<32x2048xf32>, vector<32x2048xf32>, vector<32x2048xf32>, vector<32x2048xf32>, vector<32x2048xf32>, vector<32x2048xf32>, vector<32x2048xf32> -> vector<256x2048xf32>
    %iota3A = tpu.iota {dimensions = array<i32: 0>} : vector<256x2048xi32>
    %shift_right_arithmetic3A_25 = arith.constant 5 : i32
    %shift_right_arithmetic3A_26 = vector.broadcast %shift_right_arithmetic3A_25 : i32 to vector<256x2048xi32>
    %shift_right_arithmetic3A_27 = arith.shrsi %iota3A, %shift_right_arithmetic3A_26 : vector<256x2048xi32>
    %eq3A = vector.broadcast %and3A_21 : vector<1x2048xi32> to vector<256x2048xi32>
    %eq3A_28 = arith.cmpi eq, %shift_right_arithmetic3A_27, %eq3A : vector<256x2048xi32>
    %jit3A = arith.constant 0.000000e+00 : f32
    %broadcast_in_dim3A = vector.broadcast %jit3A : f32 to vector<256x2048xf32>
    %select_n3A = arith.select %eq3A_28, %concatenate3A, %broadcast_in_dim3A : vector<256x2048xi1>, vector<256x2048xf32>
    %convert_element_type3A = arith.truncf %select_n3A : vector<256x2048xf32> to vector<256x2048xbf16>
    %get3A_29 = arith.constant 0 : index
    %get3A_30 = arith.constant 0 : index
    %get3A_31 = vector.load %arg4[%get3A_29, %get3A_30] : memref<128x256xbf16, #tpu.memory_space<vmem>>, vector<128x256xbf16>
    %dot_general3A = arith.constant dense<0.000000e+00> : vector<128x2048xf32>
    %dot_general3A_32 = tpu.matmul %get3A_31, %convert_element_type3A, %dot_general3A {dimension_numbers = #tpu.dot_dimension_numbers<[1], [0], [0], [1], [0, 0, 1, 1], [], []>, transpose_lhs_hint = false} : vector<128x256xbf16>, vector<256x2048xbf16>, vector<128x2048xf32> -> vector<128x2048xf32>
    %iota3A_33 = tpu.iota {dimensions = array<i32: 0>} : vector<128x2048xi32>
    %shift_right_arithmetic3A_34 = arith.constant 5 : i32
    %shift_right_arithmetic3A_35 = vector.broadcast %shift_right_arithmetic3A_34 : i32 to vector<128x2048xi32>
    %shift_right_arithmetic3A_36 = arith.shrsi %iota3A_33, %shift_right_arithmetic3A_35 : vector<128x2048xi32>
    %eq3A_37 = vector.broadcast %shift_right_arithmetic3A_24 : vector<1x2048xi32> to vector<128x2048xi32>
    %eq3A_38 = arith.cmpi eq, %shift_right_arithmetic3A_36, %eq3A_37 : vector<128x2048xi32>
    %jit3A_39 = arith.constant 0.000000e+00 : f32
    %broadcast_in_dim3A_40 = vector.broadcast %jit3A_39 : f32 to vector<128x2048xf32>
    %select_n3A_41 = arith.select %eq3A_38, %dot_general3A_32, %broadcast_in_dim3A_40 : vector<128x2048xi1>, vector<128x2048xf32>
    %slice3A_42 = vector.extract_strided_slice %select_n3A_41 {offsets = [0, 0], sizes = [32, 2048], strides = [1, 1]} : vector<128x2048xf32> to vector<32x2048xf32>
    %slice3A_43 = vector.extract_strided_slice %select_n3A_41 {offsets = [32, 0], sizes = [32, 2048], strides = [1, 1]} : vector<128x2048xf32> to vector<32x2048xf32>
    %add3A_44 = arith.addf %slice3A_42, %slice3A_43 : vector<32x2048xf32>
    %slice3A_45 = vector.extract_strided_slice %select_n3A_41 {offsets = [64, 0], sizes = [32, 2048], strides = [1, 1]} : vector<128x2048xf32> to vector<32x2048xf32>
    %slice3A_46 = vector.extract_strided_slice %select_n3A_41 {offsets = [96, 0], sizes = [32, 2048], strides = [1, 1]} : vector<128x2048xf32> to vector<32x2048xf32>
    %add3A_47 = arith.addf %slice3A_45, %slice3A_46 : vector<32x2048xf32>
    %add3A_48 = arith.addf %add3A_44, %add3A_47 : vector<32x2048xf32>
    %broadcast_in_dim3A_49 = arith.constant 1.000000e+00 : f32
    %broadcast_in_dim3A_50 = vector.broadcast %broadcast_in_dim3A_49 : f32 to vector<1x2048xf32>
    %broadcast_in_dim3A_51 = arith.constant 0.000000e+00 : f32
    %broadcast_in_dim3A_52 = vector.broadcast %broadcast_in_dim3A_51 : f32 to vector<14x2048xf32>
    %concatenate3A_53 = tpu.concatenate %add3A_48, %broadcast_in_dim3A_50, %bitcast_convert_type3A, %broadcast_in_dim3A_52 in 0 : vector<32x2048xf32>, vector<1x2048xf32>, vector<1x2048xf32>, vector<14x2048xf32> -> vector<48x2048xf32>
    %transpose3A = tpu.transpose %concatenate3A_53, [1, 0] : vector<48x2048xf32> -> vector<2048x48xf32>
    %swap3A = arith.constant 0 : index
    %swap3A_54 = arith.constant 0 : index
    %swap3A_55 = vector.load %arg5[%swap3A, %swap3A_54] : memref<2048x48xf32, #tpu.memory_space<vmem>>, vector<2048x48xf32>
    tpu.vector_store %arg5[%swap3A, %swap3A_54], %transpose3A {strides = array<i32>} : memref<2048x48xf32, #tpu.memory_space<vmem>>, vector<2048x48xf32>,
    return
  }
  func.func @transform_0(%arg0: i32) -> i32 {
    %c0_i32 = arith.constant 0 : i32
    %c0_i32_0 = arith.constant 0 : i32
    return %c0_i32 : i32
  }
  func.func @transform_1(%arg0: i32) -> (i32, i32) {
    %c0_i32 = arith.constant 0 : i32
    %c0_i32_0 = arith.constant 0 : i32
    return %c0_i32, %arg0 : i32, i32
  }
  func.func @transform_2(%arg0: i32) -> (i32, i32) {
    %c0_i32 = arith.constant 0 : i32
    %c0_i32_0 = arith.constant 0 : i32
    return %c0_i32, %arg0 : i32, i32
  }
  func.func @transform_3(%arg0: i32) -> (i32, i32) {
    %c0_i32 = arith.constant 0 : i32
    %c0_i32_0 = arith.constant 0 : i32
    %c0_i32_1 = arith.constant 0 : i32
    return %c0_i32, %c0_i32_0 : i32, i32
  }
  func.func @transform_4(%arg0: i32) -> (i32, i32) {
    %c0_i32 = arith.constant 0 : i32
    %c0_i32_0 = arith.constant 0 : i32
    return %arg0, %c0_i32 : i32, i32
  }
}

module attributes {stable_mosaic.version = 14 : i64} {
  func.func @_pass2_body(%arg0: i32, %arg1: memref<2x2048x48xf32, #tpu.memory_space<vmem>>, %arg2: memref<2048x32xf32, #tpu.memory_space<vmem>>, %arg3: memref<2048x4xi32, #tpu.memory_space<vmem>>) attributes {dimension_semantics = [#tpu.dimension_semantics<arbitrary>], iteration_bounds = array<i64: 16>, scalar_prefetch = 0 : i64, scratch_operands = 0 : i64, tpu.core_type = #tpu.core_type<tc>, window_params = [{transform_indices = @transform_0, window_bounds = array<i64: 2, 2048, 48>}, {transform_indices = @transform_1, window_bounds = array<i64: 2048, 32>}, {transform_indices = @transform_2, window_bounds = array<i64: 2048, 4>}]} {
    %get3A = arith.constant 0 : index
    %get3A_0 = arith.constant 0 : index
    %get3A_1 = arith.constant 0 : index
    %get3A_2 = vector.load %arg1[%get3A, %get3A_0, %get3A_1] : memref<2x2048x48xf32, #tpu.memory_space<vmem>>, vector<1x2048x48xf32>
    %get3A_3 = vector.shape_cast %get3A_2 : vector<1x2048x48xf32> to vector<2048x48xf32>
    %get3A_4 = arith.constant 1 : index
    %get3A_5 = arith.constant 0 : index
    %get3A_6 = arith.constant 0 : index
    %get3A_7 = vector.load %arg1[%get3A_4, %get3A_5, %get3A_6] : memref<2x2048x48xf32, #tpu.memory_space<vmem>>, vector<1x2048x48xf32>
    %get3A_8 = vector.shape_cast %get3A_7 : vector<1x2048x48xf32> to vector<2048x48xf32>
    %add3A = arith.addf %get3A_3, %get3A_8 : vector<2048x48xf32>
    %slice3A = vector.extract_strided_slice %add3A {offsets = [0, 0], sizes = [2048, 32], strides = [1, 1]} : vector<2048x48xf32> to vector<2048x32xf32>
    %swap3A = arith.constant 0 : index
    %swap3A_9 = arith.constant 0 : index
    %swap3A_10 = vector.load %arg2[%swap3A, %swap3A_9] : memref<2048x32xf32, #tpu.memory_space<vmem>>, vector<2048x32xf32>
    tpu.vector_store %arg2[%swap3A, %swap3A_9], %slice3A {strides = array<i32>} : memref<2048x32xf32, #tpu.memory_space<vmem>>, vector<2048x32xf32>,
    %slice3A_11 = vector.extract_strided_slice %add3A {offsets = [0, 32], sizes = [2048, 1], strides = [1, 1]} : vector<2048x48xf32> to vector<2048x1xf32>
    %gt3A = arith.constant 0.000000e+00 : f32
    %gt3A_12 = vector.broadcast %gt3A : f32 to vector<2048x1xf32>
    %gt3A_13 = arith.cmpf ogt, %slice3A_11, %gt3A_12 : vector<2048x1xf32>
    %mul3A = arith.constant 2048 : i32
    %mul3A_14 = arith.muli %arg0, %mul3A : i32
    %iota3A = tpu.iota {dimensions = array<i32: 0>} : vector<2048x4xi32>
    %add3A_15 = vector.broadcast %mul3A_14 : i32 to vector<2048x4xi32>
    %add3A_16 = arith.addi %add3A_15, %iota3A : vector<2048x4xi32>
    %iota3A_17 = tpu.iota {dimensions = array<i32: 1>} : vector<2048x4xi32>
    %eq3A = arith.constant 0 : i32
    %eq3A_18 = vector.broadcast %eq3A : i32 to vector<2048x4xi32>
    %eq3A_19 = arith.cmpi eq, %iota3A_17, %eq3A_18 : vector<2048x4xi32>
    %shift_right_arithmetic3A = arith.constant 10 : i32
    %shift_right_arithmetic3A_20 = vector.broadcast %shift_right_arithmetic3A : i32 to vector<2048x4xi32>
    %shift_right_arithmetic3A_21 = arith.shrsi %add3A_16, %shift_right_arithmetic3A_20 : vector<2048x4xi32>
    %eq3A_22 = arith.constant 2 : i32
    %eq3A_23 = vector.broadcast %eq3A_22 : i32 to vector<2048x4xi32>
    %eq3A_24 = arith.cmpi eq, %iota3A_17, %eq3A_23 : vector<2048x4xi32>
    %shift_right_arithmetic3A_25 = arith.constant 5 : i32
    %shift_right_arithmetic3A_26 = vector.broadcast %shift_right_arithmetic3A_25 : i32 to vector<2048x4xi32>
    %shift_right_arithmetic3A_27 = arith.shrsi %add3A_16, %shift_right_arithmetic3A_26 : vector<2048x4xi32>
    %and3A = arith.constant 31 : i32
    %and3A_28 = vector.broadcast %and3A : i32 to vector<2048x4xi32>
    %and3A_29 = arith.andi %shift_right_arithmetic3A_27, %and3A_28 : vector<2048x4xi32>
    %eq3A_30 = arith.constant 3 : i32
    %eq3A_31 = vector.broadcast %eq3A_30 : i32 to vector<2048x4xi32>
    %eq3A_32 = arith.cmpi eq, %iota3A_17, %eq3A_31 : vector<2048x4xi32>
    %and3A_33 = arith.constant 31 : i32
    %and3A_34 = vector.broadcast %and3A_33 : i32 to vector<2048x4xi32>
    %and3A_35 = arith.andi %add3A_16, %and3A_34 : vector<2048x4xi32>
    %jit3A = arith.constant 0 : i32
    %broadcast_in_dim3A = vector.broadcast %jit3A : i32 to vector<2048x4xi32>
    %select_n3A = arith.select %eq3A_32, %and3A_35, %broadcast_in_dim3A : vector<2048x4xi1>, vector<2048x4xi32>
    %select_n3A_36 = arith.select %eq3A_24, %and3A_29, %select_n3A : vector<2048x4xi1>, vector<2048x4xi32>
    %select_n3A_37 = arith.select %eq3A_19, %shift_right_arithmetic3A_21, %select_n3A_36 : vector<2048x4xi1>, vector<2048x4xi32>
    %jit3A_38 = arith.constant 0 : i32
    %broadcast_in_dim3A_39 = vector.shape_cast %gt3A_13 : vector<2048x1xi1> to vector<2048x1xi1>
    %broadcast_in_dim3A_40 = vector.broadcast %broadcast_in_dim3A_39 : vector<2048x1xi1> to vector<2048x4xi1>
    %broadcast_in_dim3A_41 = vector.broadcast %jit3A_38 : i32 to vector<2048x4xi32>
    %select_n3A_42 = arith.select %broadcast_in_dim3A_40, %select_n3A_37, %broadcast_in_dim3A_41 : vector<2048x4xi1>, vector<2048x4xi32>
    %swap3A_43 = arith.constant 0 : index
    %swap3A_44 = arith.constant 0 : index
    %swap3A_45 = vector.load %arg3[%swap3A_43, %swap3A_44] : memref<2048x4xi32, #tpu.memory_space<vmem>>, vector<2048x4xi32>
    tpu.vector_store %arg3[%swap3A_43, %swap3A_44], %select_n3A_42 {strides = array<i32>} : memref<2048x4xi32, #tpu.memory_space<vmem>>, vector<2048x4xi32>,
    return
  }
  func.func @transform_0(%arg0: i32) -> (i32, i32, i32) {
    %c0_i32 = arith.constant 0 : i32
    %c0_i32_0 = arith.constant 0 : i32
    %c0_i32_1 = arith.constant 0 : i32
    return %c0_i32, %arg0, %c0_i32_0 : i32, i32, i32
  }
  func.func @transform_1(%arg0: i32) -> (i32, i32) {
    %c0_i32 = arith.constant 0 : i32
    %c0_i32_0 = arith.constant 0 : i32
    return %arg0, %c0_i32 : i32, i32
  }
  func.func @transform_2(%arg0: i32) -> (i32, i32) {
    %c0_i32 = arith.constant 0 : i32
    %c0_i32_0 = arith.constant 0 : i32
    return %arg0, %c0_i32 : i32, i32
  }
}

</mosaic_0001>

<sc_bundles>
// kernel: kernel.6.cloned.1.call-start
scs
__scs_entry_jumppad:
0x0: {  	(pc) =	sbr.rel $0x88, $3  }
0x1: {  	(tag) =	ssettag $0x0;
	lr =	simm.s32 $0x1  }
0x2: {  	[smem:$0x3F9D] =	sst lr;
	_ =	strace $0xD0000000  }
0x3: {  	_ = 	snop  }
0x4: {  	_ = 	snop  }
0x5: {  	_ = 	snop  }
0x6: {  	_ = 	snop  }
0x7: {  	_ = 	snop  }
__scs_overlays_trampoline_lowered:
0x8: {  	[smem:$0x3FAC] =	sst s0  }
0x9: {  	[smem:$0x3FAD] =	sst s1  }
0xa: {  	[smem:$0x3FAE] =	sst s2  }
0xb: {  	[smem:$0x3FAF] =	sst s3  }
0xc: {  	[smem:$0x3FB0] =	sst s4  }
0xd: {  	[smem:$0x3FB1] =	sst s5  }
0xe: {  	[smem:$0x3FB2] =	sst s6  }
0xf: {  	[smem:$0x3FB3] =	sst s7  }
0x10: {  	[smem:$0x3FB4] =	sst s8  }
0x11: {  	[smem:$0x3FB5] =	sst s9;
	s0 =	simm.s32 @!p0 $0x0  }
0x12: {  	s1 =	sld [smem:$0x3F9B];
	s0 =	simm.s32 @p0 $0x1  }
0x13: {  	[smem:$0x3FB6] =	sst s0;
	s0 =	simm.s32 @!p1 $0x0  }
0x14: {  	s2 =	sld [smem:$0x3F9A];
	s0 =	simm.s32 @p1 $0x1  }
0x15: {  	[smem:$0x3FB7] =	sst s0;
	s0 =	simm.s32 @!p2 $0x0  }
0x16: {  	s3 =	sld [smem:$0x3FDB];
	s0 =	simm.s32 @p2 $0x1  }
0x17: {  	s4 =	simm.s32 $0x1BF5;
	[smem:$0x3FB9] =	sst s0  }
0x18: {  	s0 =	sld [smem:$0x3F9C];
	_ =	swait.ge [sflag:s4], $0x0  }
0x19: {  	s7 =	sld [smem:$0x3F9D]  }
0x1a: {  	s8 =	sadd.s32 $0xFFFFE003, lr  }
0x1b: {  	s9 =	sadd.s32 $0xFFFFFEF7, lr;
	s5 =	simm.s32 $0xFFFFFFFF;
	p2 =	slt.u32 s8, $0xFFFFF086  }
0x1c: {  	p1 =	slt.u32 s9, $0xF7A;
	s5 =	simm.s32 @!p2 $0x0  }
0x1d: {  	s5 =	simm.s32 @p1 $0x1;
	p0 =	seq.s32 s7, s2  }
0x1e: {  	s7 =	smul.u32 @!p0 $0xF7A, s2;
	p2 =	seq.s32 @!p0 s5, $0x0  }
0x1f: {  	s9 =	smul.u32 $0xF7A, s1;
	s8 =	simm.s32 @!p0 $0x1BF5;
	p2 =	por !p2, p0  }
0x20: {  	[sflag:s8] =	ssyncset.s32 @!p0 $0xFFFFF086;
	s6 =	sadd.s32 @!p0 s3, s7;
	s7 =	simm.s32 @!p0 $0x108  }
0x21: {  	s3 =	sadd.s32 s3, s9;
	s6 =	sadd.s32 @!p0 $0x88, s6;
	s7 =	simm.s32 @p2 $0x1082  }
0x22: {  	[simem:s7], [sflag:s8] =	dma.local @!p0 [hbm:s6], $0xF7A  }
0x23: {  	s9 =	sor.u32 $0xD0000000, s2;
	s6 =	simm.s32 $0x108;
	_ =	swait.ge @!p0 [sflag:s8], $0x0  }
0x24: {  	s3 =	sadd.s32 $0x88, s3;
	s6 =	simm.s32 @!p1 $0x1082;
	[sflag:s4] =	ssyncset.s32 $0xFFFFF086  }
0x25: {  	[simem:s6], [sflag:s4] =	dma.local [hbm:s3], $0xF7A  }
0x26: {  	[smem:$0x3F9D] =	sst s1;
	(tag) =	ssettag s2;
	_ =	strace s9  }
0x27: {  	s1 =	sld [smem:$0x3FAD]  }
0x28: {  	s2 =	sld [smem:$0x3FAE]  }
0x29: {  	s4 =	sld [smem:$0x3FB0]  }
0x2a: {  	p0 =	seq.s32 s5, $0x0;
	s5 =	sld [smem:$0x3FB1]  }
0x2b: {  	s6 =	sld [smem:$0x3FB2]  }
0x2c: {  	s7 =	sld [smem:$0x3FB3]  }
0x2d: {  	s3 =	simm.s32 $0x108;
	s8 =	sld [smem:$0x3FB4]  }
0x2e: {  	s3 =	simm.s32 @!p0 $0x1082;
	s9 =	sld [smem:$0x3FB5]  }
0x2f: {  	lr =	sadd.s32 s0, s3;
	s0 =	sld [smem:$0x3FAC]  }
0x30: {  	s3 =	sld [smem:$0x3FAF]  }
0x31: {  	[smem:$0x3FB8] =	sst s10  }
0x32: {  	s10 =	sld [smem:$0x3FB6];
	_ =	sdelay $0x3  }
0x33: {  	p0 =	seq.s32 s10, $0x1;
	s10 =	sld [smem:$0x3FB8];
	_ =	sdelay $0x3  }
0x34: {  	[smem:$0x3FB8] =	sst s10  }
0x35: {  	s10 =	sld [smem:$0x3FB7];
	_ =	sdelay $0x3  }
0x36: {  	p1 =	seq.s32 s10, $0x1;
	s10 =	sld [smem:$0x3FB8];
	_ =	sdelay $0x3  }
0x37: {  	[smem:$0x3FB8] =	sst s10  }
0x38: {  	s10 =	sld [smem:$0x3FB9]  }
0x39: {  	_ = 	snop;
	(pc) =	sbr.ind lr, $3  }
0x3a: {  	_ = 	snop  }
0x3b: {  	_ = 	snop  }
0x3c: {  	p2 =	seq.s32 s10, $0x1;
	s10 =	sld [smem:$0x3FB8]  }
0x3d: {  	_ =	shalt  }
0x3e: {  	_ =	shalt  }
0x3f: {  	_ =	shalt  }
0x40: {  	_ =	shalt  }
0x41: {  	_ =	shalt  }
0x42: {  	_ =	shalt  }
0x43: {  	_ =	shalt  }
0x44: {  	_ =	shalt  }
0x45: {  	_ =	shalt  }
0x46: {  	_ =	shalt  }
0x47: {  	_ =	shalt  }
0x48: {  	_ =	shalt  }
0x49: {  	_ =	shalt  }
0x4a: {  	_ =	shalt  }
0x4b: {  	_ =	shalt  }
0x4c: {  	_ =	shalt  }
0x4d: {  	_ =	shalt  }
0x4e: {  	_ =	shalt  }
0x4f: {  	_ =	shalt  }
0x50: {  	_ =	shalt  }
0x51: {  	_ =	shalt  }
0x52: {  	_ =	shalt  }
0x53: {  	_ =	shalt  }
0x54: {  	_ =	shalt  }
0x55: {  	_ =	shalt  }
0x56: {  	_ =	shalt  }
0x57: {  	_ =	shalt  }
0x58: {  	_ =	shalt  }
0x59: {  	_ =	shalt  }
0x5a: {  	_ =	shalt  }
0x5b: {  	_ =	shalt  }
0x5c: {  	_ =	shalt  }
0x5d: {  	_ =	shalt  }
0x5e: {  	_ =	shalt  }
0x5f: {  	_ =	shalt  }
0x60: {  	_ =	shalt  }
0x61: {  	_ =	shalt  }
0x62: {  	_ =	shalt  }
0x63: {  	_ =	shalt  }
0x64: {  	_ =	shalt  }
0x65: {  	_ =	shalt  }
0x66: {  	_ =	shalt  }
0x67: {  	_ =	shalt  }
0x68: {  	_ =	shalt  }
0x69: {  	_ =	shalt  }
0x6a: {  	_ =	shalt  }
0x6b: {  	_ =	shalt  }
0x6c: {  	_ =	shalt  }
0x6d: {  	_ =	shalt  }
0x6e: {  	_ =	shalt  }
0x6f: {  	_ =	shalt  }
0x70: {  	_ =	shalt  }
0x71: {  	_ =	shalt  }
0x72: {  	_ =	shalt  }
0x73: {  	_ =	shalt  }
0x74: {  	_ =	shalt  }
0x75: {  	_ =	shalt  }
0x76: {  	_ =	shalt  }
0x77: {  	_ =	shalt  }
0x78: {  	_ =	shalt  }
0x79: {  	_ =	shalt  }
0x7a: {  	_ =	shalt  }
0x7b: {  	_ =	shalt  }
0x7c: {  	_ =	shalt  }
0x7d: {  	_ =	shalt  }
0x7e: {  	_ =	shalt  }
0x7f: {  	_ =	shalt  }
0x80: {  	_ =	shalt  }
0x81: {  	_ =	shalt  }
0x82: {  	_ =	shalt  }
0x83: {  	_ =	shalt  }
0x84: {  	_ =	shalt  }
0x85: {  	_ =	shalt  }
0x86: {  	_ =	shalt  }
0x87: {  	_ =	shalt  }
.Lfunc_end0:
.L_simem_size_0:
called_computation_lowered:
.L_overlay_start_0:
0x88: {  	s2 =	sld [smem:$0x3FD9]  }
0x89: {  	s3 =	sld [smem:$0x3FFE];
	_ =	sdelay $0x1  }
0x8a: {  	s1 =	srdreg.scid  }
0x8b: {  	s0 =	sand.u32 $0x1, s1  }
0x8c: {  	s16 =	sshll.u32 s0, $0xA;
	s2 =	sadd.s32 s3, s2  }
0x8d: {  	s2 =	sadd.s32 s2, s16  }
0x8e: {  	[smem:$0x3FC4] =	sst s2  }
0x8f: {  	_ = 	snop  }
0x90: {  	(tm) =	ssettm $0x1  }
0x91: {  	s17 =	sld [smem:$0x3FFB];
	_ =	sdelay $0x3  }
0x92: {  	_ =	strace s17  }
0x93: {  	s2 =	sld [smem:$0x3FFC];
	_ =	sdelay $0x3  }
0x94: {  	_ =	strace s2  }
0x95: {  	s2 =	sld [smem:$0x3FFD];
	_ =	sdelay $0x3  }
0x96: {  	_ =	strace s2  }
0x97: {  	_ =	strace $0x8FFFFFFF  }
0x98: {  	s18 =	sld [smem:$0x3FDB];
	_ =	sdelay $0x1  }
0x99: {  	s19 =	simm.s32 $_scs_section_size  }
0x9a: {  	s4 =	simm.s32 $_size__tile_overlayer_lowered;
	s5 =	simm.s32 $_tile_overlayer_lowered  }
0x9b: {  	s22 =	simm.s32 $0x1BFF;
	s21 =	sshll.u32 s5, $0x1;
	s2 =	sadd.s32 s19, s18  }
0x9c: {  	s6 =	simm.s32 $0x0;
	s20 =	sshll.u32 s4, $0x1;
	s4 =	sadd.s32 s21, s2  }
0x9d: {  	[timem:s6], [sflag:s22] =	dma.local [hbm:s4], s20  }
0x9e: {  	_ =	swait.ge [sflag:s22], s20  }
0x9f: {  	s3 =	ssub.s32 $0x0, s20;
	[sflag:s22] =	ssyncset.done $0x0  }
0xa0: {  	[sflag:s22] =	ssyncadd.s32 s3;
	_ =	sdelay $0x1  }
0xa1: {  	s23 =	simm.s32 $0x1B8B  }
0xa2: {  	_ =	swait.ge [sflag:s23], $0x1  }
0xa3: {  	[sflag:s23] =	ssyncset.done $0x0  }
0xa4: {  	s25 =	simm.s32 $0x1B8E;
	s24 =	sld [smem:$0x3FFE];
	[sflag:s23] =	ssyncadd.s32 $0xFFFFFFFF  }
0xa5: {  	s26 =	simm.s32 $execute0_lowered;
	[smem:$0x3FD2] =	sst s25  }
0xa6: {  	s4 =	sshll.u32 s26, $0x1;
	_ =	strace $0x80000046;
	[dreg:$0x1] =	wrdreg $0xFFFFFFFF  }
0xa7: {  	s28 =	simm.s32 $_size_execute0_lowered;
	s2 =	sadd.s32 s2, s4;
	[dreg:$0x0] =	wrdreg $0x0  }
0xa8: {  	s4 =	sshll.u32 s28, $0x1;
	[dreg:$0x2] =	wrdreg s2  }
0xa9: {  	[dreg:$0x3] =	wrdreg s4  }
0xaa: {  	[dreg:$0x4] =	wrdreg $0xC0  }
0xab: {  	_ =	task [dreg:s6], $0x5FFFF  }
0xac: {  	[dreg:$0x1] =	wrdreg $0xFFFFFFFF  }
0xad: {  	[dreg:$0x0] =	wrdreg $0x60  }
0xae: {  	[dreg:$0x2] =	wrdreg s24  }
0xaf: {  	[dreg:$0x3] =	wrdreg $0x55C00  }
0xb0: {  	[dreg:$0x4] =	wrdreg $0x9  }
0xb1: {  	_ =	task.clear_ibuf [dreg:s6], $0x5FFFF;
	_ =	strace $0x90000046  }
0xb2: {  	s29 =	simm.s32 $0x9;
	_ =	strace $0x80000048  }
0xb3: {  	_ =	swait.ge [sflag:s29], $0x1  }
0xb4: {  	[sflag:s29] =	ssyncadd.s32 $0xFFFFFFFF  }
0xb5: {  	_ =	strace $0x90000048  }
0xb6: {  	_ =	sfence  }
0xb7: {  	s30 =	sld [smem:$0x0];
	_ =	sdelay $0x2  }
0xb8: {  	s31 =	sshll.u32 s1, $0xD;
	s1 =	sshrl.u32 s1, $0x2  }
0xb9: {  	s3 =	sand.u32 $0x4000, s31;
	s1 =	sadd.s32 s1, s30  }
0xba: {  	s0 =	sor.u32 s3, s0;
	s1 =	sshll.u32 s1, $0x11  }
0xbb: {  	s0 =	sor.u32 s1, s0  }
0xbc: {  	s0 =	sadd.s32 $0x8F2B, s0  }
0xbd: {  	[sflag:s0] =	ssyncadd.remote.s32 $0x1  }
0xbe: {  	_ =	sfence.sel $0xFFFF  }
0xbf: {  	[dreg:$0x0] =	wrdreg $0xFFFFFFFF;
	(pc) =	sbr.abs _section_cstart, $3  }
0xc0: {  	[dreg:$0x1] =	wrdreg $0xFFFFFFFF  }
0xc1: {  	_ =	task.clear_ibuf [dreg:s6], $0x2FFFF;
	_ =	strace $0x9FFFFFFF  }
0xc2: {  	(tm) =	ssettm $0x7FFFFFFF  }
0xc3: {  	_ =	shalt  }
tec
execute0_lowered:
.L_overlay_start_1:
0x0: {  	(tag) =	ssettag $0x1  }
0x1: {  	s0 =	srdreg.scid;
	s1 =	rddreg [dreg:$0x0]  }
0x2: {  	s9 =	stileid.u32;
	s2 =	rddreg [dreg:$0x1];
	s3 =	simm.s32 $0x0  }
0x3: {  	s13 =	simm.s32 $0x1;
	s14 =	simm.s32 $0x70;
	s15 =	simm.s32 $0x5400  }
0x4: {  	s16 =	simm.s32 $0x5470;
	s17 =	simm.s32 $0x1500;
	s18 =	simm.s32 $0x54E0  }
0x5: {  	s19 =	simm.s32 $0x2A00;
	s20 =	simm.s32 $0x5550;
	s21 =	simm.s32 $0x3F00  }
0x6: {  	s23 =	simm.s32 $0x0;
	s0 =	sand.u32 $0x1, s0;
	s6 =	smul.u32 $0x18000, s9  }
0x7: {  	[smem:$0x7FF] =	sst s3;
	s7 =	smul.u32 $0x60000, s9;
	s9 =	sshll.u32 s9, $0x1  }
0x8: {  	s4 =	smul.u32 $0x180000, s0;
	_ =	strace $0x80000047;
	s8 =	ssub.s32 $0x2, s0  }
0x9: {  	s0 =	sor.u32 s0, s9;
	s25 =	sshrl.u32 s7, $0x2;
	s26 =	sshrl.u32 s8, $0x1  }
0xa: {  	s7 =	smul.u32 $0x1880, s0;
	s30 =	sadd.s32 s6, s2;
	s5 =	sadd.s32 s6, s4  }
0xb: {  	s4 =	sadd.s32 $0x3D4600, s1;
	s10 =	ssub.s32 s8, s26;
	s5 =	sshrl.u32 s5, $0x3  }
0xc: {  	v0 =	vlaneseq.u32;
	s31 =	smax.u32 s10, $0x1;
	s1 =	sadd.s32 s5, s1;
	s5 =	sadd.s32 s25, s2  }
0xd: {  	v1 =	vmul.u32 $0x30, v0;
	s22 =	sshrl.u32 s30, $0x3;
	[dreg:$0x5] =	wrdreg s31;
	s28 =	sadd.s32 $0x15000, s5  }
0xe: {  	s29 =	sadd.s32 $0x600, s1;
	s10 =	sadd.s32 $0x5400, s5;
	[dreg:$0x3] =	wrdreg s28  }
0xf: {  	v0 =	vimm.f32 $0.0e+00;
	v1 =	vadd.s32 $0x21, v1;
	s11 =	sadd.s32 $0xA800, s5;
	s12 =	sadd.s32 $0xFC00, s5;
	[dreg:$0x4] =	wrdreg s29  }
.LBB2_1:
0x10: {  	s0 =	smul.u32 $0xAAAB, s3;
	_ =	sdelay $0x1  }
0x11: {  	s1 =	sshrl.u32 s0, $0x11  }
0x12: {  	s24 =	simm.s32 $0x1;
	s25 =	simm.s32 $0x0;
	s0 =	smul.u32 $0x3, s1  }
.LBB2_2:
0x13: {  	s6 =	smul.u32 $0xAAAB, s24  }
0x14: {  	s26 =	smov.u32 s24;
	s1 =	smul.u32 $0xC0, s1;
	p0 =	sne.s32 s24, $0x53F  }
.Ltmp0:
0x15: {  	s0 =	ssub.s32 s25, s0;
	(pc) =	sbr.rel @p0 .LBB2_2-.Ltmp0, $4  }
0x16: {  	s24 =	sadd.s32 $0x1, s24;
	s0 =	sand.u32 $0xFFFF, s0  }
0x17: {  	s25 =	smov.u32 s26;
	s28 =	sshrl.u32 s1, $0x2;
	s0 =	sshll.u32 s0, $0x4  }
0x18: {  	s1 =	sshrl.u32 s6, $0x11;
	s6 =	sadd.s32 s0, s28  }
0x19: {  	s0 =	smul.u32 $0x3, s1;
	[tilespmem:s6+$0x0] =	vst v0  }
0x1a: {  	_ = 	snop  }
0x1b: {  	s1 =	smul.u32 $0xC0, s1;
	s0 =	ssub.s32 s25, s0  }
0x1c: {  	s0 =	sand.u32 $0xFFFF, s0  }
0x1d: {  	s1 =	sshrl.u32 s1, $0x2;
	s0 =	sshll.u32 s0, $0x4  }
0x1e: {  	s0 =	sadd.s32 s0, s1  }
0x1f: {  	s24 =	simm.s32 $0x0;
	[tilespmem:s0+$0x0] =	vst v0  }
0x20: {  	[spmem:s5] =	stream.linear.scatter [tilespmem:s24], [sflag:$0x1], $0x5400, $0x38;
	[tilespmem:$0x1D5C0] =	vst v63  }
0x21: {  	_ =	swait.ge [sflag:s13], $0x5400  }
0x22: {  	[sflag:s13] =	ssyncset.done $0x0  }
0x23: {  	[sflag:s13] =	ssyncadd.s32 $0xFFFFAC00  }
0x24: {  	[spmem:s10] =	stream.linear.scatter [tilespmem:s24], [sflag:$0x1], $0x5400, $0x38;
	[tilespmem:$0x1D5C0] =	vst v63  }
0x25: {  	_ =	swait.ge [sflag:s13], $0x5400  }
0x26: {  	[sflag:s13] =	ssyncset.done $0x0  }
0x27: {  	[sflag:s13] =	ssyncadd.s32 $0xFFFFAC00  }
0x28: {  	[spmem:s11] =	stream.linear.scatter [tilespmem:s24], [sflag:$0x1], $0x5400, $0x38;
	[tilespmem:$0x1D5C0] =	vst v63  }
0x29: {  	_ =	swait.ge [sflag:s13], $0x5400  }
0x2a: {  	[sflag:s13] =	ssyncset.done $0x0  }
0x2b: {  	[sflag:s13] =	ssyncadd.s32 $0xFFFFAC00  }
0x2c: {  	[spmem:s12] =	stream.linear.scatter [tilespmem:s24], [sflag:$0x1], $0x5400, $0x38;
	[tilespmem:$0x1D5C0] =	vst v63  }
0x2d: {  	_ =	swait.ge [sflag:s13], $0x5400  }
0x2e: {  	[sflag:s13] =	ssyncset.done $0x0  }
0x2f: {  	s31 =	rddreg [dreg:$0x3];
	[sflag:s13] =	ssyncadd.s32 $0xFFFFAC00  }
0x30: {  	[spmem:s31] =	stream.linear.scatter [tilespmem:s24], [sflag:$0x1], $0x3000, $0x38;
	[tilespmem:$0x1D5C0] =	vst v63  }
0x31: {  	_ =	swait.ge [sflag:s13], $0x3000  }
0x32: {  	[sflag:s13] =	ssyncset.done $0x0  }
0x33: {  	[sflag:s13] =	ssyncadd.s32 $0xFFFFD000  }
0x34: {  	s25 =	simm.s32 $0x0;
	[bflag:$0x0] =	sbarrier.arrive $0xFFFF  }
.LBB2_4:
0x35: {  	s0 =	smul.u32 $0x1C0, s25  }
0x36: {  	s1 =	smul.u32 $0x25, s24;
	_ =	sdelay $0x1  }
0x37: {  	s0 =	sadd.s32 s7, s0;
	s8 =	sshrl.u32 s1, $0x8  }
0x38: {  	v2 =	vmov s24;
	s0 =	smul.u32 $0x6, s0;
	s1 =	ssub.s32 $0x0, s8  }
0x39: {  	v2 =	vmul.u32 $0x30, v2;
	s1 =	sand.u32 $0xFE, s1  }
0x3a: {  	s26 =	simm.s32 $0x1;
	s0 =	sadd.s32 s4, s0;
	s1 =	sshrl.u32 s1, $0x1  }
0x3b: {  	v2 =	vbroadcast v2, $0x0;
	[tilespmem:s24], [sflag:$0x1] =	stream.linear.gather [hbm4b:s0+s24], $0x5400, $0x38;
	[tilespmem:$0x1D5C0] =	vst v63  }
0x3c: {  	s6 =	smul.u32 $0x25, s26;
	s0 =	sadd.s32 s8, s1  }
0x3d: {  	s9 =	simm.s32 $0x10;
	s28 =	simm.s32 $0x2;
	v2 =	vadd.s32 v1, v2;
	s0 =	sand.u32 $0xFC, s0  }
0x3e: {  	v3 =	vmov s9;
	s8 =	sshrl.u32 s6, $0x8;
	_ =	swait.ge [sflag:s13], $0x5400;
	s0 =	sshrl.u32 s0, $0x2  }
0x3f: {  	v3 =	vmul.u32 $0x30, v3;
	s6 =	ssub.s32 $0x1, s8;
	[sflag:s13] =	ssyncset.done $0x0;
	s30 =	smul.u32 $0x7, s0  }
0x40: {  	s29 =	simm.s32 $0x20;
	s6 =	sand.u32 $0xFE, s6;
	[sflag:s13] =	ssyncadd.s32 $0xFFFFAC00  }
0x41: {  	v4 =	vbroadcast v3, $0x0;
	s6 =	sshrl.u32 s6, $0x1;
	s0 =	smul.u32 $0x1C0, s0;
	s30 =	ssub.s32 $0x0, s30  }
0x42: {  	s31 =	smul.u32 $0x25, s28;
	s1 =	sadd.s32 s8, s6;
	v3 =	vld.idx.msk [tilespmem:v2+s3+$0x0], $0xffff;
	s9 =	sand.u32 $0xFF, s30  }
0x43: {  	v2 =	vadd.s32 v1, v4;
	v4 =	vmov s29;
	s0 =	sshrl.u32 s0, $0x2;
	s30 =	simm.s32 $0x3;
	s6 =	sshll.u32 s9, $0x4  }
.LBB2_5:
0x44: {  	p0 =	sne.s32 s30, $0x1B  }
0x45: {  	s1 =	sand.u32 $0xFC, s1;
	s0 =	sadd.s32 s6, s0;
	s6 =	smov.u32 s26  }
0x46: {  	v4 =	vmul.u32 $0x30, v4;
	s26 =	smov.u32 s28;
	s28 =	smov.u32 s30;
	s1 =	sshrl.u32 s1, $0x2  }
0x47: {  	s8 =	sshrl.u32 s31, $0x8;
	[tilespmem:s0+$0x5400] =	vst v3;
	s31 =	smul.u32 $0x7, s1  }
.Ltmp1:
0x48: {  	s0 =	ssub.s32 s26, s8;
	v4 =	vbroadcast v4, $0x0;
	v3 =	vld.idx.msk [tilespmem:v2+s3+$0x0], $0xffff;
	(pc) =	sbr.rel @p0 .LBB2_5-.Ltmp1, $4  }
0x49: {  	s29 =	sadd.s32 $0x10, s29;
	s0 =	sand.u32 $0xFE, s0  }
0x4a: {  	s9 =	smul.u32 $0x1C0, s1;
	s0 =	sshrl.u32 s0, $0x1;
	v2 =	vadd.s32 v1, v4;
	s6 =	ssub.s32 s6, s31  }
0x4b: {  	s31 =	smul.u32 $0x25, s30;
	s1 =	sadd.s32 s8, s0;
	s6 =	sand.u32 $0xFF, s6  }
0x4c: {  	v4 =	vmov s29;
	s30 =	sadd.s32 $0x1, s30;
	s0 =	sshrl.u32 s9, $0x2;
	s6 =	sshll.u32 s6, $0x4  }
0x4d: {  	_ = 	snop  }
0x4e: {  	v4 =	vmul.u32 $0x30, v4;
	s1 =	sand.u32 $0xFC, s1  }
0x4f: {  	s0 =	sadd.s32 s6, s0;
	s9 =	sshrl.u32 s31, $0x8;
	s1 =	sshrl.u32 s1, $0x2  }
0x50: {  	[tilespmem:s0+$0x5400] =	vst v3;
	s29 =	ssub.s32 s28, s9;
	v3 =	vbroadcast v4, $0x0;
	s8 =	smul.u32 $0x7, s1  }
0x51: {  	v2 =	vld.idx.msk [tilespmem:v2+s3+$0x0], $0xffff;
	s0 =	sand.u32 $0xFE, s29  }
0x52: {  	s1 =	smul.u32 $0x1C0, s1;
	s0 =	sshrl.u32 s0, $0x1;
	v3 =	vadd.s32 v1, v3;
	s8 =	ssub.s32 s26, s8  }
0x53: {  	s0 =	sadd.s32 s9, s0;
	s30 =	sand.u32 $0xFF, s8  }
0x54: {  	s1 =	sshrl.u32 s1, $0x2;
	s0 =	sand.u32 $0xFC, s0;
	s6 =	sshll.u32 s30, $0x4  }
0x55: {  	s0 =	sshrl.u32 s0, $0x2;
	s1 =	sadd.s32 s6, s1  }
0x56: {  	s31 =	smul.u32 $0x7, s0;
	[tilespmem:s1+$0x5400] =	vst v2  }
0x57: {  	v2 =	vld.idx.msk [tilespmem:v3+s3+$0x0], $0xffff  }
0x58: {  	s0 =	smul.u32 $0x1C0, s0;
	s1 =	ssub.s32 s28, s31  }
0x59: {  	s1 =	sand.u32 $0xFF, s1  }
0x5a: {  	s0 =	sshrl.u32 s0, $0x2;
	s1 =	sshll.u32 s1, $0x4  }
0x5b: {  	s0 =	sadd.s32 s1, s0  }
0x5c: {  	[tilespmem:s0+$0x5400] =	vst v2  }
0x5d: {  	[spmem:s2] =	stream.indirect.scatter.add.f32 [tilespmem:s3], [sflag:$0x1], $0x30, s15, s14, $0xb8;
	[tilespmem:$0x1D5C0] =	vst v63  }
0x5e: {  	_ =	swait.ge [sflag:s13], $0x1500  }
0x5f: {  	[sflag:s13] =	ssyncset.done $0x0  }
0x60: {  	[sflag:s13] =	ssyncadd.s32 $0xFFFFEB00  }
0x61: {  	[spmem:s2] =	stream.indirect.scatter.add.f32 [tilespmem:s17], [sflag:$0x1], $0x30, s16, s14, $0xb8;
	[tilespmem:$0x1D5C0] =	vst v63  }
0x62: {  	_ =	swait.ge [sflag:s13], $0x1500  }
0x63: {  	[sflag:s13] =	ssyncset.done $0x0  }
0x64: {  	[sflag:s13] =	ssyncadd.s32 $0xFFFFEB00  }
0x65: {  	[spmem:s2] =	stream.indirect.scatter.add.f32 [tilespmem:s19], [sflag:$0x1], $0x30, s18, s14, $0xb8;
	[tilespmem:$0x1D5C0] =	vst v63  }
0x66: {  	s25 =	sadd.s32 $0x1, s25;
	_ =	swait.ge [sflag:s13], $0x1500  }
0x67: {  	p0 =	sne.s32 s25, $0xE;
	[sflag:s13] =	ssyncset.done $0x0  }
.Ltmp2:
0x68: {  	[sflag:s13] =	ssyncadd.s32 $0xFFFFEB00;
	(pc) =	sbr.rel @p0 .LBB2_4-.Ltmp2, $4  }
0x69: {  	[spmem:s2] =	stream.indirect.scatter.add.f32 [tilespmem:s21], [sflag:$0x1], $0x30, s20, s14, $0xb8;
	[tilespmem:$0x1D5C0] =	vst v63  }
0x6a: {  	_ =	swait.ge [sflag:s13], $0x1500  }
0x6b: {  	[sflag:s13] =	ssyncset.done $0x0  }
0x6c: {  	[sflag:s13] =	ssyncadd.s32 $0xFFFFEB00  }
0x6d: {  	s0 =	stileid.u32  }
0x6e: {  	[bflag:$0x0] =	sbarrier.arrive $0xFFFF;
	s0 =	sshll.u32 s0, $0x6  }
0x6f: {  	s1 =	rddreg [dreg:$0x4];
	s0 =	sor.u32 $0x1C01, s0  }
0x70: {  	[hbm:s1], [sflag:s0] =	dma.local [spmem:s22], $0x3000  }
0x71: {  	_ =	swait.ge [sflag:s13], $0x3000  }
0x72: {  	s23 =	sadd.s32 $0x1, s23;
	s31 =	rddreg [dreg:$0x5]  }
0x73: {  	p0 =	sne.s32 s23, s31  }
.Ltmp3:
0x74: {  	_ = 	snop;
	(pc) =	sbr.rel @p0 .LBB2_1-.Ltmp3, $3  }
0x75: {  	_ =	sdelay $0x1  }
0x76: {  	[sflag:s13] =	ssyncset.done $0x0  }
0x77: {  	[sflag:s13] =	ssyncadd.s32 $0xFFFFD000  }
0x78: {  	_ =	sfence.sel $0x180000  }
0x79: {  	[bflag:$0x0] =	sbarrier.arrive $0xFFFF  }
0x7a: {  	_ =	strace $0x90000047  }
0x7b: {  	s0 =	stileid.u32;
	[bflag:$0x2] =	sbarrier.arrive $0xFFFF  }
0x7c: {  	p0 =	sne.s32 s0, $0x0;
	s0 =	rddreg [dreg:$0x2]  }
0x7d: {  	s0 =	sadd.s32 @!p0 $0x100000, s0  }
0x7e: {  	[sflag:s0] =	ssyncadd.tile.s32 @!p0 $0x1;
	_ =	shalt  }
.Lfunc_end2:
_tile_overlayer_lowered:
.L_overlay_start_2:
0x7f: {  	(tag) =	ssettag $0x2  }
0x80: {  	s0 =	rddreg [dreg:$0x0];
	s2 =	stileid.u32  }
0x81: {  	s1 =	rddreg [dreg:$0x1];
	p0 =	sne.s32 s2, $0x0  }
0x82: {  	s3 =	rddreg [dreg:$0x2];
	[bflag:$0x3] =	sbarrier.arrive $0xFFFF;
	s2 =	simm.s32 @!p0 $0x1C01  }
0x83: {  	[timem:s3], [sflag:s2] =	dma.local @!p0 [hbm:s0], s1  }
0x84: {  	s0 =	simm.s32 @!p0 $0x1  }
0x85: {  	_ =	swait.ge @!p0 [sflag:s0], s1  }
0x86: {  	s1 =	ssub.s32 @!p0 $0x0, s1;
	[sflag:s0] =	ssyncset.done @!p0 $0x0  }
0x87: {  	[sflag:s0] =	ssyncadd.s32 @!p0 s1  }
0x88: {  	[bflag:$0x3] =	sbarrier.arrive $0xFFFF  }
0x89: {  	_ =	shalt  }

</sc_bundles>
